<compile_context>
chip_gen: v7x
topology: tpu7x:2x2x1
jax: 0.10.2.dev20260603
libtpu: 0.0.44.dev20260713+nightly
codegen_flags: <defaults>
</compile_context>

<pallas_src>
import jax
import jax.numpy as jnp
from jax import lax
from jax.experimental import pallas as pl
from jax.experimental.pallas import tpu as pltpu
from jax.experimental.pallas import tpu_sc as plsc

N_TOKENS = 32768
N_SEGS = 16
NUM_SUBCORES = 16
CHUNK = N_TOKENS // NUM_SUBCORES
LANES = 16
I32_MAX = jnp.iinfo(jnp.int32).max


def _sc_body(values_hbm, ps_hbm, out_hbm,
             stage_hbm, vals_v, ps_v, res_v, buf_v, out_v, ps_s, sem1, sem2):
    sid = lax.axis_index("s")
    base = sid * CHUNK

    cp1 = pltpu.async_copy(values_hbm.at[pl.ds(base, CHUNK)], vals_v, sem1)
    cp2 = pltpu.async_copy(ps_hbm, ps_v, sem2)
    cp2.wait()
    cp1.wait()

    iota = lax.iota(jnp.int32, LANES)
    iota_f = iota.astype(jnp.float32)
    neg_inf = jnp.float32(-jnp.inf)
    pos_inf = jnp.float32(jnp.inf)
    neg16 = jnp.full((LANES,), neg_inf, jnp.float32)
    inf16 = jnp.full((LANES,), pos_inf, jnp.float32)

    ps16 = ps_v[...]
    for i in range(N_SEGS):
        ps_s[i] = ps16[i]
    res_v[pl.ds(0, LANES)] = neg16
    res_v[pl.ds(LANES, LANES)] = inf16

    def masked_step(j, lo, hi, mv, mp):
        v = vals_v[pl.ds(j * LANES, LANES)]
        pos = base + j * LANES + iota
        inside = (pos >= lo) & (pos < hi)
        v = jnp.where(inside, v, neg_inf)
        upd = v > mv
        mp = jnp.where(upd, j.astype(jnp.float32), mp)
        mv = jnp.where(upd, v, mv)
        return mv, mp

    def seg_body(s, start_s):
        end_s = ps_s[s]
        lo = jnp.maximum(start_s, base)
        hi = jnp.minimum(end_s, base + CHUNK)
        lo_c = jnp.clip(lo - base, 0, CHUNK)
        hi_c = jnp.clip(hi - base, 0, CHUNK)
        j0 = lo_c // LANES
        j1 = (hi_c + (LANES - 1)) // LANES

        @pl.when(j1 > j0)
        def _():
            def body(j, carry):
                return masked_step(j, lo, hi, *carry)

            mv, mp = lax.fori_loop(j0, j1, body, (neg16, inf16))

            off = (base - start_s).astype(jnp.float32)
            lp = jnp.where(mv > neg_inf, mp * 16.0 + iota_f + off, pos_inf)

            m = mv
            for k in (8, 4, 2, 1):
                m = jnp.maximum(m, m.at[iota ^ k].get(mode="promise_in_bounds"))
            p = jnp.where(mv == m, lp, inf16)
            for k in (8, 4, 2, 1):
                p = jnp.minimum(p, p.at[iota ^ k].get(mode="promise_in_bounds"))

            lane = iota == s
            res_v[pl.ds(0, LANES)] = jnp.where(lane, m, res_v[pl.ds(0, LANES)])
            res_v[pl.ds(LANES, LANES)] = jnp.where(
                lane, p, res_v[pl.ds(LANES, LANES)])

        return end_s

    lax.fori_loop(0, N_SEGS, seg_body, jnp.int32(0))

    pltpu.sync_copy(res_v, stage_hbm.at[sid])
    plsc.subcore_barrier()

    @pl.when(sid == 0)
    def _():
        pltpu.sync_copy(stage_hbm, buf_v)

        def merge(i, carry):
            gmax, gpos = carry
            rv = buf_v[i, pl.ds(0, LANES)]
            rp = buf_v[i, pl.ds(LANES, LANES)]
            better = rv > gmax
            tie = rv == gmax
            gpos = jnp.where(better, rp,
                             jnp.where(tie, jnp.minimum(gpos, rp), gpos))
            gmax = jnp.maximum(gmax, rv)
            return gmax, gpos

        gmax, gpos = lax.fori_loop(0, NUM_SUBCORES, merge, (neg16, inf16))
        empty = gmax == neg16
        out_v[...] = jnp.where(empty, jnp.full((LANES,), I32_MAX, jnp.int32),
                               gpos.astype(jnp.int32))
        pltpu.sync_copy(out_v, out_hbm)


@jax.jit
def _jagged_argmax_sc(values, prefix_sum):
    mesh = plsc.VectorSubcoreMesh(
        core_axis_name="c", subcore_axis_name="s",
        num_cores=1, num_subcores=NUM_SUBCORES)
    out = pl.kernel(
        _sc_body,
        out_type=jax.ShapeDtypeStruct((N_SEGS,), jnp.int32),
        mesh=mesh,
        scratch_types=[
            pltpu.HBM((NUM_SUBCORES, 2 * LANES), jnp.float32),
            pltpu.VMEM((CHUNK,), jnp.float32),
            pltpu.VMEM((N_SEGS,), jnp.int32),
            pltpu.VMEM((2 * LANES,), jnp.float32),
            pltpu.VMEM((NUM_SUBCORES, 2 * LANES), jnp.float32),
            pltpu.VMEM((N_SEGS,), jnp.int32),
            pltpu.SMEM((N_SEGS,), jnp.int32),
            pltpu.SemaphoreType.DMA,
            pltpu.SemaphoreType.DMA,
        ],
    )(values, prefix_sum)
    return out


def kernel(values, prefix_sum):
    out = _jagged_argmax_sc(values, prefix_sum.astype(jnp.int32))
    return out.astype(jnp.int64)

# --- scband reference (transcript-rebuilt; emitter-appended) ---
"""Pipeline reference for scband-jagged-argmax-78005196030020 (READ-ONLY COPY).

The authoritative reference and input builder live on the scoring server;
editing this copy changes nothing except your own understanding.
"""

import jax, jax.numpy as jnp
import numpy as np

N_TOKENS = 32768
N_SEGS = 16

def setup_inputs(seed: int = 0) -> dict:
    key = jax.random.key(seed)
    k1, k2 = jax.random.split(key)
    values = jax.random.normal(k1, (N_TOKENS,), dtype=jnp.float32)
    # sorted cumulative segment ends; force last entry to equal total token count
    ps = jnp.sort(jax.random.randint(k2, (N_SEGS,), 1, N_TOKENS, dtype=jnp.int64))
    prefix_sum = ps.at[-1].set(N_TOKENS)
    return {"values": values, "prefix_sum": prefix_sum}

def reference(values, prefix_sum):
    # JaggedArgmax: for each ragged segment i spanning
    # [prefix_sum[i-1], prefix_sum[i]), return the LOCAL index (offset from
    # segment start) of the maximum value. Mirrors extlib.jagged_argmax_forward.
    n = values.shape[0]
    num_segs = prefix_sum.shape[0]
    pos = jnp.arange(n, dtype=jnp.int64)
    # segment id of each flat position
    seg_ids = jnp.searchsorted(prefix_sum, pos, side='right')
    starts = jnp.concatenate([jnp.zeros((1,), dtype=prefix_sum.dtype), prefix_sum[:-1]])
    local_idx = pos - starts[seg_ids]
    # max value per segment
    seg_max = jax.ops.segment_max(values, seg_ids, num_segments=num_segs)
    # first local position attaining the max
    is_max = values == seg_max[seg_ids]
    cand = jnp.where(is_max, local_idx, jnp.int64(n))
    argmax_local = jax.ops.segment_min(cand, seg_ids, num_segments=num_segs)
    return argmax_local.astype(jnp.int64)

if __name__ == "__main__":
    import jax
    _d = setup_inputs()
    print(jax.jit(kernel)(*tuple(_d.values())))

</pallas_src>

<mosaic_0001>
#map = affine_map<(d0, d1) -> (0)>
module attributes {stable_mosaic.version = 14 : i64} {
  func.func @_sc_body(%arg0: i32, %arg1: i32, %arg2: memref<32768xf32, #tpu.memory_space<hbm>>, %arg3: memref<16xi32, #tpu.memory_space<hbm>>, %arg4: memref<16xi32, #tpu.memory_space<hbm>>, %arg5: memref<16x32xf32, #tpu.memory_space<hbm>>, %arg6: memref<2048xf32, #tpu.memory_space<vmem>>, %arg7: memref<16xi32, #tpu.memory_space<vmem>>, %arg8: memref<32xf32, #tpu.memory_space<vmem>>, %arg9: memref<16x32xf32, #tpu.memory_space<vmem>>, %arg10: memref<16xi32, #tpu.memory_space<vmem>>, %arg11: memref<16xi32, #tpu.memory_space<smem>>, %arg12: memref<!tpu.dma_semaphore, #tpu.memory_space<semaphore_mem>>, %arg13: memref<!tpu.dma_semaphore, #tpu.memory_space<semaphore_mem>>) attributes {dimension_semantics = [#tpu.dimension_semantics<core_parallel>, #tpu.dimension_semantics<subcore_parallel>], iteration_bounds = array<i64: 1, 16>, scalar_prefetch = 0 : i64, scratch_operands = 9 : i64, tpu.core_type = #tpu.core_type<sc_vector_subcore>, window_params = [{transform_indices = #map}, {transform_indices = #map}, {transform_indices = #map}]} {
    %mul3A = arith.constant 2048 : i32
    %mul3A_0 = arith.muli %arg1, %mul3A : i32
    %dma_start3A = tpu.memref_slice %arg2[%mul3A_0] : memref<32768xf32, #tpu.memory_space<hbm>> -> memref<2048xf32, #tpu.memory_space<hbm>>
    %dma_start3A_1 = tpu.memref_slice %arg2[%mul3A_0] : memref<32768xf32, #tpu.memory_space<hbm>> -> memref<2048xf32, #tpu.memory_space<hbm>>
    tpu.enqueue_dma source(%dma_start3A_1 : memref<2048xf32, #tpu.memory_space<hbm>>) target(%arg6 : memref<2048xf32, #tpu.memory_space<vmem>>) target_semaphore(%arg12 : memref<!tpu.dma_semaphore, #tpu.memory_space<semaphore_mem>>)
    tpu.enqueue_dma source(%arg3 : memref<16xi32, #tpu.memory_space<hbm>>) target(%arg7 : memref<16xi32, #tpu.memory_space<vmem>>) target_semaphore(%arg13 : memref<!tpu.dma_semaphore, #tpu.memory_space<semaphore_mem>>)
    tpu.wait_dma2 semaphore(%arg13 : memref<!tpu.dma_semaphore, #tpu.memory_space<semaphore_mem>>) src(%arg3 : memref<16xi32, #tpu.memory_space<hbm>>) dst(%arg7 : memref<16xi32, #tpu.memory_space<vmem>>)
    %dma_wait3A = tpu.memref_slice %arg2[%mul3A_0] : memref<32768xf32, #tpu.memory_space<hbm>> -> memref<2048xf32, #tpu.memory_space<hbm>>
    %dma_wait3A_2 = tpu.memref_slice %arg2[%mul3A_0] : memref<32768xf32, #tpu.memory_space<hbm>> -> memref<2048xf32, #tpu.memory_space<hbm>>
    tpu.wait_dma2 semaphore(%arg12 : memref<!tpu.dma_semaphore, #tpu.memory_space<semaphore_mem>>) src(%dma_wait3A_2 : memref<2048xf32, #tpu.memory_space<hbm>>) dst(%arg6 : memref<2048xf32, #tpu.memory_space<vmem>>)
    %iota3A = tpu.iota {dimensions = array<i32: 0>} : vector<16xi32>
    %convert_element_type3A = arith.sitofp %iota3A : vector<16xi32> to vector<16xf32>
    %broadcast_in_dim3A = arith.constant 0xFF800000 : f32
    %broadcast_in_dim3A_3 = vector.broadcast %broadcast_in_dim3A : f32 to vector<16xf32>
    %broadcast_in_dim3A_4 = arith.constant 0x7F800000 : f32
    %broadcast_in_dim3A_5 = vector.broadcast %broadcast_in_dim3A_4 : f32 to vector<16xf32>
    %get3A = arith.constant 0 : index
    %get3A_6 = tpu.vector_load %arg7[%get3A] {strides = array<i32>} : memref<16xi32, #tpu.memory_space<vmem>>, vector<16xi32>,
    %get3A_7 = vector.shape_cast %get3A_6 : vector<16xi32> to vector<16xi32>
    %slice3A = vector.extract_strided_slice %get3A_7 {offsets = [0], sizes = [1], strides = [1]} : vector<16xi32> to vector<1xi32>
    %squeeze3A = vector.extract %slice3A[0] : i32 from vector<1xi32>
    %swap3A = arith.constant 0 : i32
    %swap3A_8 = arith.index_cast %swap3A : i32 to index
    %swap3A_9 = memref.load %arg11[%swap3A_8] : memref<16xi32, #tpu.memory_space<smem>>
    memref.store %squeeze3A, %arg11[%swap3A_8] : memref<16xi32, #tpu.memory_space<smem>>
    %slice3A_10 = vector.extract_strided_slice %get3A_7 {offsets = [1], sizes = [1], strides = [1]} : vector<16xi32> to vector<1xi32>
    %squeeze3A_11 = vector.extract %slice3A_10[0] : i32 from vector<1xi32>
    %swap3A_12 = arith.constant 1 : i32
    %swap3A_13 = arith.index_cast %swap3A_12 : i32 to index
    %swap3A_14 = memref.load %arg11[%swap3A_13] : memref<16xi32, #tpu.memory_space<smem>>
    memref.store %squeeze3A_11, %arg11[%swap3A_13] : memref<16xi32, #tpu.memory_space<smem>>
    %slice3A_15 = vector.extract_strided_slice %get3A_7 {offsets = [2], sizes = [1], strides = [1]} : vector<16xi32> to vector<1xi32>
    %squeeze3A_16 = vector.extract %slice3A_15[0] : i32 from vector<1xi32>
    %swap3A_17 = arith.constant 2 : i32
    %swap3A_18 = arith.index_cast %swap3A_17 : i32 to index
    %swap3A_19 = memref.load %arg11[%swap3A_18] : memref<16xi32, #tpu.memory_space<smem>>
    memref.store %squeeze3A_16, %arg11[%swap3A_18] : memref<16xi32, #tpu.memory_space<smem>>
    %slice3A_20 = vector.extract_strided_slice %get3A_7 {offsets = [3], sizes = [1], strides = [1]} : vector<16xi32> to vector<1xi32>
    %squeeze3A_21 = vector.extract %slice3A_20[0] : i32 from vector<1xi32>
    %swap3A_22 = arith.constant 3 : i32
    %swap3A_23 = arith.index_cast %swap3A_22 : i32 to index
    %swap3A_24 = memref.load %arg11[%swap3A_23] : memref<16xi32, #tpu.memory_space<smem>>
    memref.store %squeeze3A_21, %arg11[%swap3A_23] : memref<16xi32, #tpu.memory_space<smem>>
    %slice3A_25 = vector.extract_strided_slice %get3A_7 {offsets = [4], sizes = [1], strides = [1]} : vector<16xi32> to vector<1xi32>
    %squeeze3A_26 = vector.extract %slice3A_25[0] : i32 from vector<1xi32>
    %swap3A_27 = arith.constant 4 : i32
    %swap3A_28 = arith.index_cast %swap3A_27 : i32 to index
    %swap3A_29 = memref.load %arg11[%swap3A_28] : memref<16xi32, #tpu.memory_space<smem>>
    memref.store %squeeze3A_26, %arg11[%swap3A_28] : memref<16xi32, #tpu.memory_space<smem>>
    %slice3A_30 = vector.extract_strided_slice %get3A_7 {offsets = [5], sizes = [1], strides = [1]} : vector<16xi32> to vector<1xi32>
    %squeeze3A_31 = vector.extract %slice3A_30[0] : i32 from vector<1xi32>
    %swap3A_32 = arith.constant 5 : i32
    %swap3A_33 = arith.index_cast %swap3A_32 : i32 to index
    %swap3A_34 = memref.load %arg11[%swap3A_33] : memref<16xi32, #tpu.memory_space<smem>>
    memref.store %squeeze3A_31, %arg11[%swap3A_33] : memref<16xi32, #tpu.memory_space<smem>>
    %slice3A_35 = vector.extract_strided_slice %get3A_7 {offsets = [6], sizes = [1], strides = [1]} : vector<16xi32> to vector<1xi32>
    %squeeze3A_36 = vector.extract %slice3A_35[0] : i32 from vector<1xi32>
    %swap3A_37 = arith.constant 6 : i32
    %swap3A_38 = arith.index_cast %swap3A_37 : i32 to index
    %swap3A_39 = memref.load %arg11[%swap3A_38] : memref<16xi32, #tpu.memory_space<smem>>
    memref.store %squeeze3A_36, %arg11[%swap3A_38] : memref<16xi32, #tpu.memory_space<smem>>
    %slice3A_40 = vector.extract_strided_slice %get3A_7 {offsets = [7], sizes = [1], strides = [1]} : vector<16xi32> to vector<1xi32>
    %squeeze3A_41 = vector.extract %slice3A_40[0] : i32 from vector<1xi32>
    %swap3A_42 = arith.constant 7 : i32
    %swap3A_43 = arith.index_cast %swap3A_42 : i32 to index
    %swap3A_44 = memref.load %arg11[%swap3A_43] : memref<16xi32, #tpu.memory_space<smem>>
    memref.store %squeeze3A_41, %arg11[%swap3A_43] : memref<16xi32, #tpu.memory_space<smem>>
    %slice3A_45 = vector.extract_strided_slice %get3A_7 {offsets = [8], sizes = [1], strides = [1]} : vector<16xi32> to vector<1xi32>
    %squeeze3A_46 = vector.extract %slice3A_45[0] : i32 from vector<1xi32>
    %swap3A_47 = arith.constant 8 : i32
    %swap3A_48 = arith.index_cast %swap3A_47 : i32 to index
    %swap3A_49 = memref.load %arg11[%swap3A_48] : memref<16xi32, #tpu.memory_space<smem>>
    memref.store %squeeze3A_46, %arg11[%swap3A_48] : memref<16xi32, #tpu.memory_space<smem>>
    %slice3A_50 = vector.extract_strided_slice %get3A_7 {offsets = [9], sizes = [1], strides = [1]} : vector<16xi32> to vector<1xi32>
    %squeeze3A_51 = vector.extract %slice3A_50[0] : i32 from vector<1xi32>
    %swap3A_52 = arith.constant 9 : i32
    %swap3A_53 = arith.index_cast %swap3A_52 : i32 to index
    %swap3A_54 = memref.load %arg11[%swap3A_53] : memref<16xi32, #tpu.memory_space<smem>>
    memref.store %squeeze3A_51, %arg11[%swap3A_53] : memref<16xi32, #tpu.memory_space<smem>>
    %slice3A_55 = vector.extract_strided_slice %get3A_7 {offsets = [10], sizes = [1], strides = [1]} : vector<16xi32> to vector<1xi32>
    %squeeze3A_56 = vector.extract %slice3A_55[0] : i32 from vector<1xi32>
    %swap3A_57 = arith.constant 10 : i32
    %swap3A_58 = arith.index_cast %swap3A_57 : i32 to index
    %swap3A_59 = memref.load %arg11[%swap3A_58] : memref<16xi32, #tpu.memory_space<smem>>
    memref.store %squeeze3A_56, %arg11[%swap3A_58] : memref<16xi32, #tpu.memory_space<smem>>
    %slice3A_60 = vector.extract_strided_slice %get3A_7 {offsets = [11], sizes = [1], strides = [1]} : vector<16xi32> to vector<1xi32>
    %squeeze3A_61 = vector.extract %slice3A_60[0] : i32 from vector<1xi32>
    %swap3A_62 = arith.constant 11 : i32
    %swap3A_63 = arith.index_cast %swap3A_62 : i32 to index
    %swap3A_64 = memref.load %arg11[%swap3A_63] : memref<16xi32, #tpu.memory_space<smem>>
    memref.store %squeeze3A_61, %arg11[%swap3A_63] : memref<16xi32, #tpu.memory_space<smem>>
    %slice3A_65 = vector.extract_strided_slice %get3A_7 {offsets = [12], sizes = [1], strides = [1]} : vector<16xi32> to vector<1xi32>
    %squeeze3A_66 = vector.extract %slice3A_65[0] : i32 from vector<1xi32>
    %swap3A_67 = arith.constant 12 : i32
    %swap3A_68 = arith.index_cast %swap3A_67 : i32 to index
    %swap3A_69 = memref.load %arg11[%swap3A_68] : memref<16xi32, #tpu.memory_space<smem>>
    memref.store %squeeze3A_66, %arg11[%swap3A_68] : memref<16xi32, #tpu.memory_space<smem>>
    %slice3A_70 = vector.extract_strided_slice %get3A_7 {offsets = [13], sizes = [1], strides = [1]} : vector<16xi32> to vector<1xi32>
    %squeeze3A_71 = vector.extract %slice3A_70[0] : i32 from vector<1xi32>
    %swap3A_72 = arith.constant 13 : i32
    %swap3A_73 = arith.index_cast %swap3A_72 : i32 to index
    %swap3A_74 = memref.load %arg11[%swap3A_73] : memref<16xi32, #tpu.memory_space<smem>>
    memref.store %squeeze3A_71, %arg11[%swap3A_73] : memref<16xi32, #tpu.memory_space<smem>>
    %slice3A_75 = vector.extract_strided_slice %get3A_7 {offsets = [14], sizes = [1], strides = [1]} : vector<16xi32> to vector<1xi32>
    %squeeze3A_76 = vector.extract %slice3A_75[0] : i32 from vector<1xi32>
    %swap3A_77 = arith.constant 14 : i32
    %swap3A_78 = arith.index_cast %swap3A_77 : i32 to index
    %swap3A_79 = memref.load %arg11[%swap3A_78] : memref<16xi32, #tpu.memory_space<smem>>
    memref.store %squeeze3A_76, %arg11[%swap3A_78] : memref<16xi32, #tpu.memory_space<smem>>
    %slice3A_80 = vector.extract_strided_slice %get3A_7 {offsets = [15], sizes = [1], strides = [1]} : vector<16xi32> to vector<1xi32>
    %squeeze3A_81 = vector.extract %slice3A_80[0] : i32 from vector<1xi32>
    %swap3A_82 = arith.constant 15 : i32
    %swap3A_83 = arith.index_cast %swap3A_82 : i32 to index
    %swap3A_84 = memref.load %arg11[%swap3A_83] : memref<16xi32, #tpu.memory_space<smem>>
    memref.store %squeeze3A_81, %arg11[%swap3A_83] : memref<16xi32, #tpu.memory_space<smem>>
    %swap3A_85 = arith.constant 0 : index
    %swap3A_86 = tpu.vector_load %arg8[%swap3A_85] {strides = array<i32>} : memref<32xf32, #tpu.memory_space<vmem>>, vector<16xf32>,
    %swap3A_87 = vector.shape_cast %swap3A_86 : vector<16xf32> to vector<16xf32>
    %swap3A_88 = vector.shape_cast %broadcast_in_dim3A_3 : vector<16xf32> to vector<16xf32>
    tpu.vector_store %arg8[%swap3A_85], %swap3A_88 {strides = array<i32>} : memref<32xf32, #tpu.memory_space<vmem>>, vector<16xf32>,
    %swap3A_89 = arith.constant 16 : index
    %swap3A_90 = tpu.vector_load %arg8[%swap3A_89] {strides = array<i32>} : memref<32xf32, #tpu.memory_space<vmem>>, vector<16xf32>,
    %swap3A_91 = vector.shape_cast %swap3A_90 : vector<16xf32> to vector<16xf32>
    %swap3A_92 = vector.shape_cast %broadcast_in_dim3A_5 : vector<16xf32> to vector<16xf32>
    tpu.vector_store %arg8[%swap3A_89], %swap3A_92 {strides = array<i32>} : memref<32xf32, #tpu.memory_space<vmem>>, vector<16xf32>,
    %scan3A = arith.constant 0xFF800000 : f32
    %scan3A_93 = arith.constant 0x7F800000 : f32
    %scan3A_94 = arith.constant 0 : i32
    %scan3A_95 = arith.constant 0 : i32
    %scan3A_96 = arith.constant 16 : i32
    %scan3A_97 = arith.addi %scan3A_95, %scan3A_96 : i32
    %scan3A_98 = arith.constant 1 : i32
    %scan3A_99 = scf.for %scan3A_104 = %scan3A_95 to %scan3A_97 step %scan3A_98 iter_args(%scan3A_105 = %scan3A_94) -> (i32)  : i32 {
      %get3A_106 = arith.index_cast %scan3A_104 : i32 to index
      %get3A_107 = memref.load %arg11[%get3A_106] : memref<16xi32, #tpu.memory_space<smem>>
      %max3A = arith.maxsi %scan3A_105, %mul3A_0 : i32
      %add3A = arith.constant 2048 : i32
      %add3A_108 = arith.addi %mul3A_0, %add3A : i32
      %min3A = arith.minsi %get3A_107, %add3A_108 : i32
      %sub3A = arith.subi %max3A, %mul3A_0 : i32
      %jit3A = arith.constant 0 : i32
      %jit3A_109 = arith.constant 2048 : i32
      %max3A_110 = arith.maxsi %jit3A, %sub3A : i32
      %min3A_111 = arith.minsi %jit3A_109, %max3A_110 : i32
      %sub3A_112 = arith.subi %min3A, %mul3A_0 : i32
      %jit3A_113 = arith.constant 0 : i32
      %jit3A_114 = arith.constant 2048 : i32
      %max3A_115 = arith.maxsi %jit3A_113, %sub3A_112 : i32
      %min3A_116 = arith.minsi %jit3A_114, %max3A_115 : i32
      %jit3A_117 = arith.constant 16 : i32
      %div3A = arith.divsi %min3A_111, %jit3A_117 : i32
      %sign3A = arith.constant 0 : i32
      %sign3A_118 = arith.cmpi sgt, %min3A_111, %sign3A : i32
      %sign3A_119 = arith.extui %sign3A_118 : i1 to i32
      %sign3A_120 = arith.constant 0 : i32
      %sign3A_121 = arith.cmpi slt, %min3A_111, %sign3A_120 : i32
      %sign3A_122 = arith.extui %sign3A_121 : i1 to i32
      %sign3A_123 = arith.subi %sign3A_119, %sign3A_122 : i32
      %sign3A_124 = arith.constant 0 : i32
      %sign3A_125 = arith.cmpi sgt, %jit3A_117, %sign3A_124 : i32
      %sign3A_126 = arith.extui %sign3A_125 : i1 to i32
      %sign3A_127 = arith.constant 0 : i32
      %sign3A_128 = arith.cmpi slt, %jit3A_117, %sign3A_127 : i32
      %sign3A_129 = arith.extui %sign3A_128 : i1 to i32
      %sign3A_130 = arith.subi %sign3A_126, %sign3A_129 : i32
      %ne3A = arith.cmpi ne, %sign3A_123, %sign3A_130 : i32
      %rem3A = arith.remsi %min3A_111, %jit3A_117 : i32
      %ne3A_131 = arith.constant 0 : i32
      %ne3A_132 = arith.cmpi ne, %rem3A, %ne3A_131 : i32
      %and3A = arith.andi %ne3A, %ne3A_132 : i1
      %sub3A_133 = arith.constant 1 : i32
      %sub3A_134 = arith.subi %div3A, %sub3A_133 : i32
      %select_n3A = arith.select %and3A, %sub3A_134, %div3A : i32
      %add3A_135 = arith.constant 15 : i32
      %add3A_136 = arith.addi %min3A_116, %add3A_135 : i32
      %jit3A_137 = arith.constant 16 : i32
      %div3A_138 = arith.divsi %add3A_136, %jit3A_137 : i32
      %sign3A_139 = arith.constant 0 : i32
      %sign3A_140 = arith.cmpi sgt, %add3A_136, %sign3A_139 : i32
      %sign3A_141 = arith.extui %sign3A_140 : i1 to i32
      %sign3A_142 = arith.constant 0 : i32
      %sign3A_143 = arith.cmpi slt, %add3A_136, %sign3A_142 : i32
      %sign3A_144 = arith.extui %sign3A_143 : i1 to i32
      %sign3A_145 = arith.subi %sign3A_141, %sign3A_144 : i32
      %sign3A_146 = arith.constant 0 : i32
      %sign3A_147 = arith.cmpi sgt, %jit3A_137, %sign3A_146 : i32
      %sign3A_148 = arith.extui %sign3A_147 : i1 to i32
      %sign3A_149 = arith.constant 0 : i32
      %sign3A_150 = arith.cmpi slt, %jit3A_137, %sign3A_149 : i32
      %sign3A_151 = arith.extui %sign3A_150 : i1 to i32
      %sign3A_152 = arith.subi %sign3A_148, %sign3A_151 : i32
      %ne3A_153 = arith.cmpi ne, %sign3A_145, %sign3A_152 : i32
      %rem3A_154 = arith.remsi %add3A_136, %jit3A_137 : i32
      %ne3A_155 = arith.constant 0 : i32
      %ne3A_156 = arith.cmpi ne, %rem3A_154, %ne3A_155 : i32
      %and3A_157 = arith.andi %ne3A_153, %ne3A_156 : i1
      %sub3A_158 = arith.constant 1 : i32
      %sub3A_159 = arith.subi %div3A_138, %sub3A_158 : i32
      %select_n3A_160 = arith.select %and3A_157, %sub3A_159, %div3A_138 : i32
      %gt3A = arith.cmpi sgt, %select_n3A_160, %select_n3A : i32
      %convert_element_type3A_161 = arith.extui %gt3A : i1 to i32
      %cond3A_162 = arith.constant 0 : i32
      %cond3A_163 = arith.cmpi ne, %convert_element_type3A_161, %cond3A_162 : i32
      scf.if %cond3A_163 {
        %while3A = arith.subi %select_n3A_160, %select_n3A : i32
        %while3A_164 = arith.addi %select_n3A, %while3A : i32
        %while3A_165 = arith.constant 1 : i32
        %while3A_166 = arith.divsi %while3A, %while3A_165 : i32
        %while3A_167 = arith.muli %while3A_166, %while3A_165 : i32
        %while3A_168 = arith.addi %select_n3A, %while3A_167 : i32
        %while3A_169 = arith.constant 1 : i32
        %while3A_170:2 = scf.for %while3A_314 = %select_n3A to %while3A_168 step %while3A_169 iter_args(%while3A_315 = %broadcast_in_dim3A_3, %while3A_316 = %broadcast_in_dim3A_5) -> (vector<16xf32>, vector<16xf32>)  : i32 {
          %mul3A_317 = arith.constant 16 : i32
          %mul3A_318 = arith.muli %while3A_314, %mul3A_317 : i32
          %get3A_319 = arith.index_cast %mul3A_318 : i32 to index
          %get3A_320 = tpu.vector_load %arg6[%get3A_319] {strides = array<i32>} : memref<2048xf32, #tpu.memory_space<vmem>>, vector<16xf32>,
          %get3A_321 = vector.shape_cast %get3A_320 : vector<16xf32> to vector<16xf32>
          %mul3A_322 = arith.constant 16 : i32
          %mul3A_323 = arith.muli %while3A_314, %mul3A_322 : i32
          %add3A_324 = arith.addi %mul3A_0, %mul3A_323 : i32
          %add3A_325 = vector.broadcast %add3A_324 : i32 to vector<16xi32>
          %add3A_326 = arith.addi %add3A_325, %iota3A : vector<16xi32>
          %ge3A = vector.broadcast %max3A : i32 to vector<16xi32>
          %ge3A_327 = arith.cmpi sge, %add3A_326, %ge3A : vector<16xi32>
          %lt3A_328 = vector.broadcast %min3A : i32 to vector<16xi32>
          %lt3A_329 = arith.cmpi slt, %add3A_326, %lt3A_328 : vector<16xi32>
          %and3A_330 = arith.andi %ge3A_327, %lt3A_329 : vector<16xi1>
          %broadcast_in_dim3A_331 = vector.broadcast %scan3A : f32 to vector<16xf32>
          %select_n3A_332 = arith.select %and3A_330, %get3A_321, %broadcast_in_dim3A_331 : vector<16xi1>, vector<16xf32>
          %gt3A_333 = arith.cmpf ogt, %select_n3A_332, %while3A_315 : vector<16xf32>
          %convert_element_type3A_334 = arith.sitofp %while3A_314 : i32 to f32
          %broadcast_in_dim3A_335 = vector.broadcast %convert_element_type3A_334 : f32 to vector<16xf32>
          %select_n3A_336 = arith.select %gt3A_333, %broadcast_in_dim3A_335, %while3A_316 : vector<16xi1>, vector<16xf32>
          %select_n3A_337 = arith.select %gt3A_333, %select_n3A_332, %while3A_315 : vector<16xi1>, vector<16xf32>
          scf.yield %select_n3A_337, %select_n3A_336 : vector<16xf32>, vector<16xf32>
        }
        %while3A_171 = arith.constant 1 : i32
        %while3A_172:2 = scf.for %while3A_314 = %while3A_168 to %while3A_164 step %while3A_171 iter_args(%while3A_315 = %while3A_170#0, %while3A_316 = %while3A_170#1) -> (vector<16xf32>, vector<16xf32>)  : i32 {
          %mul3A_317 = arith.constant 16 : i32
          %mul3A_318 = arith.muli %while3A_314, %mul3A_317 : i32
          %get3A_319 = arith.index_cast %mul3A_318 : i32 to index
          %get3A_320 = tpu.vector_load %arg6[%get3A_319] {strides = array<i32>} : memref<2048xf32, #tpu.memory_space<vmem>>, vector<16xf32>,
          %get3A_321 = vector.shape_cast %get3A_320 : vector<16xf32> to vector<16xf32>
          %mul3A_322 = arith.constant 16 : i32
          %mul3A_323 = arith.muli %while3A_314, %mul3A_322 : i32
          %add3A_324 = arith.addi %mul3A_0, %mul3A_323 : i32
          %add3A_325 = vector.broadcast %add3A_324 : i32 to vector<16xi32>
          %add3A_326 = arith.addi %add3A_325, %iota3A : vector<16xi32>
          %ge3A = vector.broadcast %max3A : i32 to vector<16xi32>
          %ge3A_327 = arith.cmpi sge, %add3A_326, %ge3A : vector<16xi32>
          %lt3A_328 = vector.broadcast %min3A : i32 to vector<16xi32>
          %lt3A_329 = arith.cmpi slt, %add3A_326, %lt3A_328 : vector<16xi32>
          %and3A_330 = arith.andi %ge3A_327, %lt3A_329 : vector<16xi1>
          %broadcast_in_dim3A_331 = vector.broadcast %scan3A : f32 to vector<16xf32>
          %select_n3A_332 = arith.select %and3A_330, %get3A_321, %broadcast_in_dim3A_331 : vector<16xi1>, vector<16xf32>
          %gt3A_333 = arith.cmpf ogt, %select_n3A_332, %while3A_315 : vector<16xf32>
          %convert_element_type3A_334 = arith.sitofp %while3A_314 : i32 to f32
          %broadcast_in_dim3A_335 = vector.broadcast %convert_element_type3A_334 : f32 to vector<16xf32>
          %select_n3A_336 = arith.select %gt3A_333, %broadcast_in_dim3A_335, %while3A_316 : vector<16xi1>, vector<16xf32>
          %select_n3A_337 = arith.select %gt3A_333, %select_n3A_332, %while3A_315 : vector<16xi1>, vector<16xf32>
          scf.yield %select_n3A_337, %select_n3A_336 : vector<16xf32>, vector<16xf32>
        }
        %sub3A_173 = arith.subi %mul3A_0, %scan3A_105 : i32
        %convert_element_type3A_174 = arith.sitofp %sub3A_173 : i32 to f32
        %gt3A_175 = vector.broadcast %scan3A : f32 to vector<16xf32>
        %gt3A_176 = arith.cmpf ogt, %while3A_172#0, %gt3A_175 : vector<16xf32>
        %mul3A_177 = arith.constant 1.600000e+01 : f32
        %mul3A_178 = vector.broadcast %mul3A_177 : f32 to vector<16xf32>
        %mul3A_179 = arith.mulf %while3A_172#1, %mul3A_178 : vector<16xf32>
        %add3A_180 = arith.addf %mul3A_179, %convert_element_type3A : vector<16xf32>
        %add3A_181 = vector.broadcast %convert_element_type3A_174 : f32 to vector<16xf32>
        %add3A_182 = arith.addf %add3A_180, %add3A_181 : vector<16xf32>
        %broadcast_in_dim3A_183 = vector.broadcast %scan3A_93 : f32 to vector<16xf32>
        %select_n3A_184 = arith.select %gt3A_176, %add3A_182, %broadcast_in_dim3A_183 : vector<16xi1>, vector<16xf32>
        %xor3A = arith.constant 8 : i32
        %xor3A_185 = vector.broadcast %xor3A : i32 to vector<16xi32>
        %xor3A_186 = arith.xori %iota3A, %xor3A_185 : vector<16xi32>
        %lt3A = arith.constant 0 : i32
        %lt3A_187 = vector.broadcast %lt3A : i32 to vector<16xi32>
        %lt3A_188 = arith.cmpi slt, %xor3A_186, %lt3A_187 : vector<16xi32>
        %add3A_189 = arith.constant 16 : i32
        %add3A_190 = vector.broadcast %add3A_189 : i32 to vector<16xi32>
        %add3A_191 = arith.addi %xor3A_186, %add3A_190 : vector<16xi32>
        %select_n3A_192 = arith.select %lt3A_188, %add3A_191, %xor3A_186 : vector<16xi1>, vector<16xi32>
        %broadcast_in_dim3A_193 = vector.shape_cast %select_n3A_192 : vector<16xi32> to vector<16x1xi32>
        %gather3A = vector.shape_cast %broadcast_in_dim3A_193 : vector<16x1xi32> to vector<16xi32>
        %gather3A_194 = tpu.dynamic_gather %while3A_172#0[%gather3A] in [0] : vector<16xf32>, vector<16xi32> -> vector<16xf32>
        %max3A_195 = arith.maximumf %while3A_172#0, %gather3A_194 : vector<16xf32>
        %xor3A_196 = arith.constant 4 : i32
        %xor3A_197 = vector.broadcast %xor3A_196 : i32 to vector<16xi32>
        %xor3A_198 = arith.xori %iota3A, %xor3A_197 : vector<16xi32>
        %lt3A_199 = arith.constant 0 : i32
        %lt3A_200 = vector.broadcast %lt3A_199 : i32 to vector<16xi32>
        %lt3A_201 = arith.cmpi slt, %xor3A_198, %lt3A_200 : vector<16xi32>
        %add3A_202 = arith.constant 16 : i32
        %add3A_203 = vector.broadcast %add3A_202 : i32 to vector<16xi32>
        %add3A_204 = arith.addi %xor3A_198, %add3A_203 : vector<16xi32>
        %select_n3A_205 = arith.select %lt3A_201, %add3A_204, %xor3A_198 : vector<16xi1>, vector<16xi32>
        %broadcast_in_dim3A_206 = vector.shape_cast %select_n3A_205 : vector<16xi32> to vector<16x1xi32>
        %gather3A_207 = vector.shape_cast %broadcast_in_dim3A_206 : vector<16x1xi32> to vector<16xi32>
        %gather3A_208 = tpu.dynamic_gather %max3A_195[%gather3A_207] in [0] : vector<16xf32>, vector<16xi32> -> vector<16xf32>
        %max3A_209 = arith.maximumf %max3A_195, %gather3A_208 : vector<16xf32>
        %xor3A_210 = arith.constant 2 : i32
        %xor3A_211 = vector.broadcast %xor3A_210 : i32 to vector<16xi32>
        %xor3A_212 = arith.xori %iota3A, %xor3A_211 : vector<16xi32>
        %lt3A_213 = arith.constant 0 : i32
        %lt3A_214 = vector.broadcast %lt3A_213 : i32 to vector<16xi32>
        %lt3A_215 = arith.cmpi slt, %xor3A_212, %lt3A_214 : vector<16xi32>
        %add3A_216 = arith.constant 16 : i32
        %add3A_217 = vector.broadcast %add3A_216 : i32 to vector<16xi32>
        %add3A_218 = arith.addi %xor3A_212, %add3A_217 : vector<16xi32>
        %select_n3A_219 = arith.select %lt3A_215, %add3A_218, %xor3A_212 : vector<16xi1>, vector<16xi32>
        %broadcast_in_dim3A_220 = vector.shape_cast %select_n3A_219 : vector<16xi32> to vector<16x1xi32>
        %gather3A_221 = vector.shape_cast %broadcast_in_dim3A_220 : vector<16x1xi32> to vector<16xi32>
        %gather3A_222 = tpu.dynamic_gather %max3A_209[%gather3A_221] in [0] : vector<16xf32>, vector<16xi32> -> vector<16xf32>
        %max3A_223 = arith.maximumf %max3A_209, %gather3A_222 : vector<16xf32>
        %xor3A_224 = arith.constant 1 : i32
        %xor3A_225 = vector.broadcast %xor3A_224 : i32 to vector<16xi32>
        %xor3A_226 = arith.xori %iota3A, %xor3A_225 : vector<16xi32>
        %lt3A_227 = arith.constant 0 : i32
        %lt3A_228 = vector.broadcast %lt3A_227 : i32 to vector<16xi32>
        %lt3A_229 = arith.cmpi slt, %xor3A_226, %lt3A_228 : vector<16xi32>
        %add3A_230 = arith.constant 16 : i32
        %add3A_231 = vector.broadcast %add3A_230 : i32 to vector<16xi32>
        %add3A_232 = arith.addi %xor3A_226, %add3A_231 : vector<16xi32>
        %select_n3A_233 = arith.select %lt3A_229, %add3A_232, %xor3A_226 : vector<16xi1>, vector<16xi32>
        %broadcast_in_dim3A_234 = vector.shape_cast %select_n3A_233 : vector<16xi32> to vector<16x1xi32>
        %gather3A_235 = vector.shape_cast %broadcast_in_dim3A_234 : vector<16x1xi32> to vector<16xi32>
        %gather3A_236 = tpu.dynamic_gather %max3A_223[%gather3A_235] in [0] : vector<16xf32>, vector<16xi32> -> vector<16xf32>
        %max3A_237 = arith.maximumf %max3A_223, %gather3A_236 : vector<16xf32>
        %eq3A_238 = arith.cmpf oeq, %while3A_172#0, %max3A_237 : vector<16xf32>
        %select_n3A_239 = arith.select %eq3A_238, %select_n3A_184, %broadcast_in_dim3A_5 : vector<16xi1>, vector<16xf32>
        %xor3A_240 = arith.constant 8 : i32
        %xor3A_241 = vector.broadcast %xor3A_240 : i32 to vector<16xi32>
        %xor3A_242 = arith.xori %iota3A, %xor3A_241 : vector<16xi32>
        %lt3A_243 = arith.constant 0 : i32
        %lt3A_244 = vector.broadcast %lt3A_243 : i32 to vector<16xi32>
        %lt3A_245 = arith.cmpi slt, %xor3A_242, %lt3A_244 : vector<16xi32>
        %add3A_246 = arith.constant 16 : i32
        %add3A_247 = vector.broadcast %add3A_246 : i32 to vector<16xi32>
        %add3A_248 = arith.addi %xor3A_242, %add3A_247 : vector<16xi32>
        %select_n3A_249 = arith.select %lt3A_245, %add3A_248, %xor3A_242 : vector<16xi1>, vector<16xi32>
        %broadcast_in_dim3A_250 = vector.shape_cast %select_n3A_249 : vector<16xi32> to vector<16x1xi32>
        %gather3A_251 = vector.shape_cast %broadcast_in_dim3A_250 : vector<16x1xi32> to vector<16xi32>
        %gather3A_252 = tpu.dynamic_gather %select_n3A_239[%gather3A_251] in [0] : vector<16xf32>, vector<16xi32> -> vector<16xf32>
        %min3A_253 = arith.minimumf %select_n3A_239, %gather3A_252 : vector<16xf32>
        %xor3A_254 = arith.constant 4 : i32
        %xor3A_255 = vector.broadcast %xor3A_254 : i32 to vector<16xi32>
        %xor3A_256 = arith.xori %iota3A, %xor3A_255 : vector<16xi32>
        %lt3A_257 = arith.constant 0 : i32
        %lt3A_258 = vector.broadcast %lt3A_257 : i32 to vector<16xi32>
        %lt3A_259 = arith.cmpi slt, %xor3A_256, %lt3A_258 : vector<16xi32>
        %add3A_260 = arith.constant 16 : i32
        %add3A_261 = vector.broadcast %add3A_260 : i32 to vector<16xi32>
        %add3A_262 = arith.addi %xor3A_256, %add3A_261 : vector<16xi32>
        %select_n3A_263 = arith.select %lt3A_259, %add3A_262, %xor3A_256 : vector<16xi1>, vector<16xi32>
        %broadcast_in_dim3A_264 = vector.shape_cast %select_n3A_263 : vector<16xi32> to vector<16x1xi32>
        %gather3A_265 = vector.shape_cast %broadcast_in_dim3A_264 : vector<16x1xi32> to vector<16xi32>
        %gather3A_266 = tpu.dynamic_gather %min3A_253[%gather3A_265] in [0] : vector<16xf32>, vector<16xi32> -> vector<16xf32>
        %min3A_267 = arith.minimumf %min3A_253, %gather3A_266 : vector<16xf32>
        %xor3A_268 = arith.constant 2 : i32
        %xor3A_269 = vector.broadcast %xor3A_268 : i32 to vector<16xi32>
        %xor3A_270 = arith.xori %iota3A, %xor3A_269 : vector<16xi32>
        %lt3A_271 = arith.constant 0 : i32
        %lt3A_272 = vector.broadcast %lt3A_271 : i32 to vector<16xi32>
        %lt3A_273 = arith.cmpi slt, %xor3A_270, %lt3A_272 : vector<16xi32>
        %add3A_274 = arith.constant 16 : i32
        %add3A_275 = vector.broadcast %add3A_274 : i32 to vector<16xi32>
        %add3A_276 = arith.addi %xor3A_270, %add3A_275 : vector<16xi32>
        %select_n3A_277 = arith.select %lt3A_273, %add3A_276, %xor3A_270 : vector<16xi1>, vector<16xi32>
        %broadcast_in_dim3A_278 = vector.shape_cast %select_n3A_277 : vector<16xi32> to vector<16x1xi32>
        %gather3A_279 = vector.shape_cast %broadcast_in_dim3A_278 : vector<16x1xi32> to vector<16xi32>
        %gather3A_280 = tpu.dynamic_gather %min3A_267[%gather3A_279] in [0] : vector<16xf32>, vector<16xi32> -> vector<16xf32>
        %min3A_281 = arith.minimumf %min3A_267, %gather3A_280 : vector<16xf32>
        %xor3A_282 = arith.constant 1 : i32
        %xor3A_283 = vector.broadcast %xor3A_282 : i32 to vector<16xi32>
        %xor3A_284 = arith.xori %iota3A, %xor3A_283 : vector<16xi32>
        %lt3A_285 = arith.constant 0 : i32
        %lt3A_286 = vector.broadcast %lt3A_285 : i32 to vector<16xi32>
        %lt3A_287 = arith.cmpi slt, %xor3A_284, %lt3A_286 : vector<16xi32>
        %add3A_288 = arith.constant 16 : i32
        %add3A_289 = vector.broadcast %add3A_288 : i32 to vector<16xi32>
        %add3A_290 = arith.addi %xor3A_284, %add3A_289 : vector<16xi32>
        %select_n3A_291 = arith.select %lt3A_287, %add3A_290, %xor3A_284 : vector<16xi1>, vector<16xi32>
        %broadcast_in_dim3A_292 = vector.shape_cast %select_n3A_291 : vector<16xi32> to vector<16x1xi32>
        %gather3A_293 = vector.shape_cast %broadcast_in_dim3A_292 : vector<16x1xi32> to vector<16xi32>
        %gather3A_294 = tpu.dynamic_gather %min3A_281[%gather3A_293] in [0] : vector<16xf32>, vector<16xi32> -> vector<16xf32>
        %min3A_295 = arith.minimumf %min3A_281, %gather3A_294 : vector<16xf32>
        %eq3A_296 = vector.broadcast %scan3A_104 : i32 to vector<16xi32>
        %eq3A_297 = arith.cmpi eq, %iota3A, %eq3A_296 : vector<16xi32>
        %get3A_298 = arith.constant 0 : index
        %get3A_299 = tpu.vector_load %arg8[%get3A_298] {strides = array<i32>} : memref<32xf32, #tpu.memory_space<vmem>>, vector<16xf32>,
        %get3A_300 = vector.shape_cast %get3A_299 : vector<16xf32> to vector<16xf32>
        %select_n3A_301 = arith.select %eq3A_297, %max3A_237, %get3A_300 : vector<16xi1>, vector<16xf32>
        %swap3A_302 = arith.constant 0 : index
        %swap3A_303 = tpu.vector_load %arg8[%swap3A_302] {strides = array<i32>} : memref<32xf32, #tpu.memory_space<vmem>>, vector<16xf32>,
        %swap3A_304 = vector.shape_cast %swap3A_303 : vector<16xf32> to vector<16xf32>
        %swap3A_305 = vector.shape_cast %select_n3A_301 : vector<16xf32> to vector<16xf32>
        tpu.vector_store %arg8[%swap3A_302], %swap3A_305 {strides = array<i32>} : memref<32xf32, #tpu.memory_space<vmem>>, vector<16xf32>,
        %get3A_306 = arith.constant 16 : index
        %get3A_307 = tpu.vector_load %arg8[%get3A_306] {strides = array<i32>} : memref<32xf32, #tpu.memory_space<vmem>>, vector<16xf32>,
        %get3A_308 = vector.shape_cast %get3A_307 : vector<16xf32> to vector<16xf32>
        %select_n3A_309 = arith.select %eq3A_297, %min3A_295, %get3A_308 : vector<16xi1>, vector<16xf32>
        %swap3A_310 = arith.constant 16 : index
        %swap3A_311 = tpu.vector_load %arg8[%swap3A_310] {strides = array<i32>} : memref<32xf32, #tpu.memory_space<vmem>>, vector<16xf32>,
        %swap3A_312 = vector.shape_cast %swap3A_311 : vector<16xf32> to vector<16xf32>
        %swap3A_313 = vector.shape_cast %select_n3A_309 : vector<16xf32> to vector<16xf32>
        tpu.vector_store %arg8[%swap3A_310], %swap3A_313 {strides = array<i32>} : memref<32xf32, #tpu.memory_space<vmem>>, vector<16xf32>,
      } else {
      }
      scf.yield %get3A_107 : i32
    }
    %scan3A_100 = arith.constant 16 : i32
    "tpu.region"() ({
      %run_scoped3A = tpu.sem_alloc : memref<!tpu.dma_semaphore, #tpu.memory_space<semaphore_mem>>
      %dma_start3A_104 = arith.constant 0 : i32
      %dma_start3A_105 = tpu.memref_slice %arg5[%arg1, %dma_start3A_104] : memref<16x32xf32, #tpu.memory_space<hbm>> -> memref<1x32xf32, #tpu.memory_space<hbm>>
      %dma_start3A_106 = tpu.memref_squeeze %dma_start3A_105 : memref<1x32xf32, #tpu.memory_space<hbm>> -> memref<32xf32, #tpu.memory_space<hbm>>
      %dma_start3A_107 = arith.constant 0 : i32
      %dma_start3A_108 = tpu.memref_slice %arg5[%arg1, %dma_start3A_107] : memref<16x32xf32, #tpu.memory_space<hbm>> -> memref<1x32xf32, #tpu.memory_space<hbm>>
      %dma_start3A_109 = tpu.memref_squeeze %dma_start3A_108 : memref<1x32xf32, #tpu.memory_space<hbm>> -> memref<32xf32, #tpu.memory_space<hbm>>
      tpu.enqueue_dma source(%arg8 : memref<32xf32, #tpu.memory_space<vmem>>) target(%dma_start3A_109 : memref<32xf32, #tpu.memory_space<hbm>>) target_semaphore(%run_scoped3A : memref<!tpu.dma_semaphore, #tpu.memory_space<semaphore_mem>>)
      %dma_wait3A_110 = arith.constant 0 : i32
      %dma_wait3A_111 = tpu.memref_slice %arg5[%arg1, %dma_wait3A_110] : memref<16x32xf32, #tpu.memory_space<hbm>> -> memref<1x32xf32, #tpu.memory_space<hbm>>
      %dma_wait3A_112 = tpu.memref_squeeze %dma_wait3A_111 : memref<1x32xf32, #tpu.memory_space<hbm>> -> memref<32xf32, #tpu.memory_space<hbm>>
      %dma_wait3A_113 = arith.constant 0 : i32
      %dma_wait3A_114 = tpu.memref_slice %arg5[%arg1, %dma_wait3A_113] : memref<16x32xf32, #tpu.memory_space<hbm>> -> memref<1x32xf32, #tpu.memory_space<hbm>>
      %dma_wait3A_115 = tpu.memref_squeeze %dma_wait3A_114 : memref<1x32xf32, #tpu.memory_space<hbm>> -> memref<32xf32, #tpu.memory_space<hbm>>
      tpu.wait_dma2 semaphore(%run_scoped3A : memref<!tpu.dma_semaphore, #tpu.memory_space<semaphore_mem>>) src(%arg8 : memref<32xf32, #tpu.memory_space<vmem>>) dst(%dma_wait3A_115 : memref<32xf32, #tpu.memory_space<hbm>>)
      tpu.yield
    }) : () -> ()
    %barrier3A = arith.constant 0 : index
    tpu.barrier barrier_id(%barrier3A)
    %eq3A = arith.constant 0 : i32
    %eq3A_101 = arith.cmpi eq, %arg1, %eq3A : i32
    %convert_element_type3A_102 = arith.extui %eq3A_101 : i1 to i32
    %cond3A = arith.constant 0 : i32
    %cond3A_103 = arith.cmpi ne, %convert_element_type3A_102, %cond3A : i32
    scf.if %cond3A_103 {
      "tpu.region"() ({
        %run_scoped3A = tpu.sem_alloc : memref<!tpu.dma_semaphore, #tpu.memory_space<semaphore_mem>>
        tpu.enqueue_dma source(%arg5 : memref<16x32xf32, #tpu.memory_space<hbm>>) target(%arg9 : memref<16x32xf32, #tpu.memory_space<vmem>>) target_semaphore(%run_scoped3A : memref<!tpu.dma_semaphore, #tpu.memory_space<semaphore_mem>>)
        tpu.wait_dma2 semaphore(%run_scoped3A : memref<!tpu.dma_semaphore, #tpu.memory_space<semaphore_mem>>) src(%arg5 : memref<16x32xf32, #tpu.memory_space<hbm>>) dst(%arg9 : memref<16x32xf32, #tpu.memory_space<vmem>>)
        tpu.yield
      }) : () -> ()
      %scan3A_104 = arith.constant 0 : i32
      %scan3A_105 = arith.constant 16 : i32
      %scan3A_106 = arith.addi %scan3A_104, %scan3A_105 : i32
      %scan3A_107 = arith.constant 1 : i32
      %scan3A_108:2 = scf.for %scan3A_118 = %scan3A_104 to %scan3A_106 step %scan3A_107 iter_args(%scan3A_119 = %broadcast_in_dim3A_3, %scan3A_120 = %broadcast_in_dim3A_5) -> (vector<16xf32>, vector<16xf32>)  : i32 {
        %get3A_121 = arith.index_cast %scan3A_118 : i32 to index
        %get3A_122 = arith.constant 0 : index
        %get3A_123 = tpu.vector_load %arg9[%get3A_121, %get3A_122] {strides = array<i32>} : memref<16x32xf32, #tpu.memory_space<vmem>>, vector<1x16xf32>,
        %get3A_124 = vector.shape_cast %get3A_123 : vector<1x16xf32> to vector<16xf32>
        %get3A_125 = arith.index_cast %scan3A_118 : i32 to index
        %get3A_126 = arith.constant 16 : index
        %get3A_127 = tpu.vector_load %arg9[%get3A_125, %get3A_126] {strides = array<i32>} : memref<16x32xf32, #tpu.memory_space<vmem>>, vector<1x16xf32>,
        %get3A_128 = vector.shape_cast %get3A_127 : vector<1x16xf32> to vector<16xf32>
        %gt3A = arith.cmpf ogt, %get3A_124, %scan3A_119 : vector<16xf32>
        %eq3A_129 = arith.cmpf oeq, %get3A_124, %scan3A_119 : vector<16xf32>
        %min3A = arith.minimumf %scan3A_120, %get3A_128 : vector<16xf32>
        %select_n3A_130 = arith.select %eq3A_129, %min3A, %scan3A_120 : vector<16xi1>, vector<16xf32>
        %select_n3A_131 = arith.select %gt3A, %get3A_128, %select_n3A_130 : vector<16xi1>, vector<16xf32>
        %max3A = arith.maximumf %scan3A_119, %get3A_124 : vector<16xf32>
        scf.yield %max3A, %select_n3A_131 : vector<16xf32>, vector<16xf32>
      }
      %scan3A_109 = arith.constant 16 : i32
      %eq3A_110 = arith.cmpf oeq, %scan3A_108#0, %broadcast_in_dim3A_3 : vector<16xf32>
      %broadcast_in_dim3A_111 = arith.constant 2147483647 : i32
      %broadcast_in_dim3A_112 = vector.broadcast %broadcast_in_dim3A_111 : i32 to vector<16xi32>
      %convert_element_type3A_113 = arith.fptosi %scan3A_108#1 : vector<16xf32> to vector<16xi32>
      %select_n3A = arith.select %eq3A_110, %broadcast_in_dim3A_112, %convert_element_type3A_113 : vector<16xi1>, vector<16xi32>
      %swap3A_114 = arith.constant 0 : index
      %swap3A_115 = tpu.vector_load %arg10[%swap3A_114] {strides = array<i32>} : memref<16xi32, #tpu.memory_space<vmem>>, vector<16xi32>,
      %swap3A_116 = vector.shape_cast %swap3A_115 : vector<16xi32> to vector<16xi32>
      %swap3A_117 = vector.shape_cast %select_n3A : vector<16xi32> to vector<16xi32>
      tpu.vector_store %arg10[%swap3A_114], %swap3A_117 {strides = array<i32>} : memref<16xi32, #tpu.memory_space<vmem>>, vector<16xi32>,
      "tpu.region"() ({
        %run_scoped3A = tpu.sem_alloc : memref<!tpu.dma_semaphore, #tpu.memory_space<semaphore_mem>>
        tpu.enqueue_dma source(%arg10 : memref<16xi32, #tpu.memory_space<vmem>>) target(%arg4 : memref<16xi32, #tpu.memory_space<hbm>>) target_semaphore(%run_scoped3A : memref<!tpu.dma_semaphore, #tpu.memory_space<semaphore_mem>>)
        tpu.wait_dma2 semaphore(%run_scoped3A : memref<!tpu.dma_semaphore, #tpu.memory_space<semaphore_mem>>) src(%arg10 : memref<16xi32, #tpu.memory_space<vmem>>) dst(%arg4 : memref<16xi32, #tpu.memory_space<hbm>>)
        tpu.yield
      }) : () -> ()
    } else {
    }
    return
  }
}

</mosaic_0001>

<sc_bundles>
// kernel: _jagged_argmax_sc.3.cloned.1.call-start
scs
__scs_entry_jumppad:
0x0: {  	(pc) =	sbr.rel $0x88, $3  }
0x1: {  	(tag) =	ssettag $0x0;
	lr =	simm.s32 $0x1  }
0x2: {  	[smem:$0x3F9F] =	sst lr;
	_ =	strace $0xD0000000  }
0x3: {  	_ = 	snop  }
0x4: {  	_ = 	snop  }
0x5: {  	_ = 	snop  }
0x6: {  	_ = 	snop  }
0x7: {  	_ = 	snop  }
__scs_overlays_trampoline_lowered:
0x8: {  	[smem:$0x3FAE] =	sst s0  }
0x9: {  	[smem:$0x3FAF] =	sst s1  }
0xa: {  	[smem:$0x3FB0] =	sst s2  }
0xb: {  	[smem:$0x3FB1] =	sst s3  }
0xc: {  	[smem:$0x3FB2] =	sst s4  }
0xd: {  	[smem:$0x3FB3] =	sst s5  }
0xe: {  	[smem:$0x3FB4] =	sst s6  }
0xf: {  	[smem:$0x3FB5] =	sst s7  }
0x10: {  	[smem:$0x3FB6] =	sst s8  }
0x11: {  	[smem:$0x3FB7] =	sst s9;
	s0 =	simm.s32 @!p0 $0x0  }
0x12: {  	s1 =	sld [smem:$0x3F9D];
	s0 =	simm.s32 @p0 $0x1  }
0x13: {  	[smem:$0x3FB8] =	sst s0;
	s0 =	simm.s32 @!p1 $0x0  }
0x14: {  	s2 =	sld [smem:$0x3F9C];
	s0 =	simm.s32 @p1 $0x1  }
0x15: {  	[smem:$0x3FB9] =	sst s0;
	s0 =	simm.s32 @!p2 $0x0  }
0x16: {  	s3 =	sld [smem:$0x3FDB];
	s0 =	simm.s32 @p2 $0x1  }
0x17: {  	s4 =	simm.s32 $0x1BF5;
	[smem:$0x3FBB] =	sst s0  }
0x18: {  	s0 =	sld [smem:$0x3F9E];
	_ =	swait.ge [sflag:s4], $0x0  }
0x19: {  	s7 =	sld [smem:$0x3F9F]  }
0x1a: {  	s8 =	sadd.s32 $0xFFFFE003, lr  }
0x1b: {  	s9 =	sadd.s32 $0xFFFFFEF7, lr;
	s5 =	simm.s32 $0xFFFFFFFF;
	p2 =	slt.u32 s8, $0xFFFFF086  }
0x1c: {  	p1 =	slt.u32 s9, $0xF7A;
	s5 =	simm.s32 @!p2 $0x0  }
0x1d: {  	s5 =	simm.s32 @p1 $0x1;
	p0 =	seq.s32 s7, s2  }
0x1e: {  	s7 =	smul.u32 @!p0 $0xF7A, s2;
	p2 =	seq.s32 @!p0 s5, $0x0  }
0x1f: {  	s9 =	smul.u32 $0xF7A, s1;
	s8 =	simm.s32 @!p0 $0x1BF5;
	p2 =	por !p2, p0  }
0x20: {  	[sflag:s8] =	ssyncset.s32 @!p0 $0xFFFFF086;
	s6 =	sadd.s32 @!p0 s3, s7;
	s7 =	simm.s32 @!p0 $0x108  }
0x21: {  	s3 =	sadd.s32 s3, s9;
	s6 =	sadd.s32 @!p0 $0x88, s6;
	s7 =	simm.s32 @p2 $0x1082  }
0x22: {  	[simem:s7], [sflag:s8] =	dma.local @!p0 [hbm:s6], $0xF7A  }
0x23: {  	s9 =	sor.u32 $0xD0000000, s2;
	s6 =	simm.s32 $0x108;
	_ =	swait.ge @!p0 [sflag:s8], $0x0  }
0x24: {  	s3 =	sadd.s32 $0x88, s3;
	s6 =	simm.s32 @!p1 $0x1082;
	[sflag:s4] =	ssyncset.s32 $0xFFFFF086  }
0x25: {  	[simem:s6], [sflag:s4] =	dma.local [hbm:s3], $0xF7A  }
0x26: {  	[smem:$0x3F9F] =	sst s1;
	(tag) =	ssettag s2;
	_ =	strace s9  }
0x27: {  	s1 =	sld [smem:$0x3FAF]  }
0x28: {  	s2 =	sld [smem:$0x3FB0]  }
0x29: {  	s4 =	sld [smem:$0x3FB2]  }
0x2a: {  	p0 =	seq.s32 s5, $0x0;
	s5 =	sld [smem:$0x3FB3]  }
0x2b: {  	s6 =	sld [smem:$0x3FB4]  }
0x2c: {  	s7 =	sld [smem:$0x3FB5]  }
0x2d: {  	s3 =	simm.s32 $0x108;
	s8 =	sld [smem:$0x3FB6]  }
0x2e: {  	s3 =	simm.s32 @!p0 $0x1082;
	s9 =	sld [smem:$0x3FB7]  }
0x2f: {  	lr =	sadd.s32 s0, s3;
	s0 =	sld [smem:$0x3FAE]  }
0x30: {  	s3 =	sld [smem:$0x3FB1]  }
0x31: {  	[smem:$0x3FBA] =	sst s10  }
0x32: {  	s10 =	sld [smem:$0x3FB8];
	_ =	sdelay $0x3  }
0x33: {  	p0 =	seq.s32 s10, $0x1;
	s10 =	sld [smem:$0x3FBA];
	_ =	sdelay $0x3  }
0x34: {  	[smem:$0x3FBA] =	sst s10  }
0x35: {  	s10 =	sld [smem:$0x3FB9];
	_ =	sdelay $0x3  }
0x36: {  	p1 =	seq.s32 s10, $0x1;
	s10 =	sld [smem:$0x3FBA];
	_ =	sdelay $0x3  }
0x37: {  	[smem:$0x3FBA] =	sst s10  }
0x38: {  	s10 =	sld [smem:$0x3FBB]  }
0x39: {  	_ = 	snop;
	(pc) =	sbr.ind lr, $3  }
0x3a: {  	_ = 	snop  }
0x3b: {  	_ = 	snop  }
0x3c: {  	p2 =	seq.s32 s10, $0x1;
	s10 =	sld [smem:$0x3FBA]  }
0x3d: {  	_ =	shalt  }
0x3e: {  	_ =	shalt  }
0x3f: {  	_ =	shalt  }
0x40: {  	_ =	shalt  }
0x41: {  	_ =	shalt  }
0x42: {  	_ =	shalt  }
0x43: {  	_ =	shalt  }
0x44: {  	_ =	shalt  }
0x45: {  	_ =	shalt  }
0x46: {  	_ =	shalt  }
0x47: {  	_ =	shalt  }
0x48: {  	_ =	shalt  }
0x49: {  	_ =	shalt  }
0x4a: {  	_ =	shalt  }
0x4b: {  	_ =	shalt  }
0x4c: {  	_ =	shalt  }
0x4d: {  	_ =	shalt  }
0x4e: {  	_ =	shalt  }
0x4f: {  	_ =	shalt  }
0x50: {  	_ =	shalt  }
0x51: {  	_ =	shalt  }
0x52: {  	_ =	shalt  }
0x53: {  	_ =	shalt  }
0x54: {  	_ =	shalt  }
0x55: {  	_ =	shalt  }
0x56: {  	_ =	shalt  }
0x57: {  	_ =	shalt  }
0x58: {  	_ =	shalt  }
0x59: {  	_ =	shalt  }
0x5a: {  	_ =	shalt  }
0x5b: {  	_ =	shalt  }
0x5c: {  	_ =	shalt  }
0x5d: {  	_ =	shalt  }
0x5e: {  	_ =	shalt  }
0x5f: {  	_ =	shalt  }
0x60: {  	_ =	shalt  }
0x61: {  	_ =	shalt  }
0x62: {  	_ =	shalt  }
0x63: {  	_ =	shalt  }
0x64: {  	_ =	shalt  }
0x65: {  	_ =	shalt  }
0x66: {  	_ =	shalt  }
0x67: {  	_ =	shalt  }
0x68: {  	_ =	shalt  }
0x69: {  	_ =	shalt  }
0x6a: {  	_ =	shalt  }
0x6b: {  	_ =	shalt  }
0x6c: {  	_ =	shalt  }
0x6d: {  	_ =	shalt  }
0x6e: {  	_ =	shalt  }
0x6f: {  	_ =	shalt  }
0x70: {  	_ =	shalt  }
0x71: {  	_ =	shalt  }
0x72: {  	_ =	shalt  }
0x73: {  	_ =	shalt  }
0x74: {  	_ =	shalt  }
0x75: {  	_ =	shalt  }
0x76: {  	_ =	shalt  }
0x77: {  	_ =	shalt  }
0x78: {  	_ =	shalt  }
0x79: {  	_ =	shalt  }
0x7a: {  	_ =	shalt  }
0x7b: {  	_ =	shalt  }
0x7c: {  	_ =	shalt  }
0x7d: {  	_ =	shalt  }
0x7e: {  	_ =	shalt  }
0x7f: {  	_ =	shalt  }
0x80: {  	_ =	shalt  }
0x81: {  	_ =	shalt  }
0x82: {  	_ =	shalt  }
0x83: {  	_ =	shalt  }
0x84: {  	_ =	shalt  }
0x85: {  	_ =	shalt  }
0x86: {  	_ =	shalt  }
0x87: {  	_ =	shalt  }
.Lfunc_end0:
.L_simem_size_0:
called_computation_lowered:
.L_overlay_start_0:
0x88: {  	s0 =	sld [smem:$0x3FD9]  }
0x89: {  	s1 =	sld [smem:$0x3FFE];
	_ =	sdelay $0x3  }
0x8a: {  	s0 =	sadd.s32 s1, s0  }
0x8b: {  	[smem:$0x3FC6] =	sst s0  }
0x8c: {  	_ = 	snop  }
0x8d: {  	s17 =	sld [smem:$0x3FC9]  }
0x8e: {  	s2 =	sld [smem:$0x3FC8]  }
0x8f: {  	s3 =	sld [smem:$0x3FD0];
	(tm) =	ssettm $0x1  }
0x90: {  	s4 =	sld [smem:$0x3FFB];
	_ =	sdelay $0x3  }
0x91: {  	_ =	strace s4  }
0x92: {  	s4 =	sld [smem:$0x3FFC];
	_ =	sdelay $0x3  }
0x93: {  	_ =	strace s4  }
0x94: {  	s4 =	sld [smem:$0x3FFD];
	_ =	sdelay $0x3  }
0x95: {  	_ =	strace s4  }
0x96: {  	_ =	strace $0x8FFFFFFF  }
0x97: {  	s18 =	sld [smem:$0x3FDB];
	_ =	sdelay $0x1  }
0x98: {  	s5 =	simm.s32 $_scs_section_size  }
0x99: {  	s6 =	simm.s32 $_size__tile_overlayer_lowered;
	s7 =	simm.s32 $_tile_overlayer_lowered  }
0x9a: {  	s21 =	simm.s32 $0x1BFF;
	s20 =	sshll.u32 s7, $0x1;
	s4 =	sadd.s32 s5, s18  }
0x9b: {  	s8 =	simm.s32 $0x0;
	s19 =	sshll.u32 s6, $0x1;
	s6 =	sadd.s32 s20, s4  }
0x9c: {  	[timem:s8], [sflag:s21] =	dma.local [hbm:s6], s19  }
0x9d: {  	_ =	swait.ge [sflag:s21], s19  }
0x9e: {  	s5 =	ssub.s32 $0x0, s19;
	[sflag:s21] =	ssyncset.done $0x0  }
0x9f: {  	[sflag:s21] =	ssyncadd.s32 s5;
	_ =	sdelay $0x1  }
0xa0: {  	s22 =	simm.s32 $0x1B8B  }
0xa1: {  	_ =	swait.ge [sflag:s22], $0x1  }
0xa2: {  	[sflag:s22] =	ssyncset.done $0x0  }
0xa3: {  	s23 =	simm.s32 $0x1B8E;
	[sflag:s22] =	ssyncadd.s32 $0xFFFFFFFF  }
0xa4: {  	s24 =	simm.s32 $execute0_lowered;
	[smem:$0x3FD2] =	sst s23  }
0xa5: {  	s5 =	sshll.u32 s24, $0x1;
	_ =	strace $0x80000046;
	[dreg:$0x1] =	wrdreg $0xFFFFFFFF  }
0xa6: {  	s25 =	simm.s32 $_size_execute0_lowered;
	s4 =	sadd.s32 s4, s5;
	[dreg:$0x0] =	wrdreg $0x0  }
0xa7: {  	s5 =	sshll.u32 s25, $0x1;
	[dreg:$0x2] =	wrdreg s4  }
0xa8: {  	[dreg:$0x3] =	wrdreg s5  }
0xa9: {  	[dreg:$0x4] =	wrdreg $0xC0  }
0xaa: {  	_ =	task [dreg:s8], $0x5FFFF  }
0xab: {  	[dreg:$0x1] =	wrdreg $0xFFFFFFFF  }
0xac: {  	[dreg:$0x0] =	wrdreg $0x60  }
0xad: {  	[dreg:$0x2] =	wrdreg s17  }
0xae: {  	[dreg:$0x3] =	wrdreg s2  }
0xaf: {  	s0 =	sadd.s32 $0x400, s0;
	[dreg:$0x4] =	wrdreg s3  }
0xb0: {  	[dreg:$0x5] =	wrdreg s0  }
0xb1: {  	[dreg:$0x6] =	wrdreg $0x9  }
0xb2: {  	_ =	task.clear_ibuf [dreg:s8], $0x7FFFF;
	_ =	strace $0x90000046  }
0xb3: {  	s26 =	simm.s32 $0x9;
	_ =	strace $0x80000048  }
0xb4: {  	_ =	swait.ge [sflag:s26], $0x1  }
0xb5: {  	[sflag:s26] =	ssyncadd.s32 $0xFFFFFFFF  }
0xb6: {  	_ =	strace $0x90000048  }
0xb7: {  	_ =	sfence  }
0xb8: {  	s28 =	sld [smem:$0x0];
	_ =	sdelay $0x1  }
0xb9: {  	s29 =	srdreg.scid  }
0xba: {  	s30 =	sshll.u32 s29, $0xD;
	s31 =	sshrl.u32 s29, $0x2  }
0xbb: {  	s1 =	sand.u32 $0x1, s29;
	s2 =	sand.u32 $0x4000, s30;
	s0 =	sadd.s32 s31, s28  }
0xbc: {  	s1 =	sor.u32 s2, s1;
	s0 =	sshll.u32 s0, $0x11  }
0xbd: {  	s0 =	sor.u32 s0, s1  }
0xbe: {  	s0 =	sadd.s32 $0x8F2B, s0  }
0xbf: {  	[sflag:s0] =	ssyncadd.remote.s32 $0x1  }
0xc0: {  	_ =	sfence.sel $0xFFFF  }
0xc1: {  	[dreg:$0x0] =	wrdreg $0xFFFFFFFF;
	(pc) =	sbr.abs _section_cstart, $3  }
0xc2: {  	[dreg:$0x1] =	wrdreg $0xFFFFFFFF  }
0xc3: {  	_ =	task.clear_ibuf [dreg:s8], $0x2FFFF;
	_ =	strace $0x9FFFFFFF  }
0xc4: {  	(tm) =	ssettm $0x7FFFFFFF  }
0xc5: {  	_ =	shalt  }
tec
execute0_lowered:
.L_overlay_start_1:
0x0: {  	(tag) =	ssettag $0x1  }
0x1: {  	s5 =	rddreg [dreg:$0x0]  }
0x2: {  	s6 =	rddreg [dreg:$0x1]  }
0x3: {  	s1 =	rddreg [dreg:$0x2]  }
0x4: {  	s2 =	rddreg [dreg:$0x3];
	s4 =	simm.s32 $0x0;
	s3 =	stileid.u32  }
0x5: {  	[smem:$0x7FF] =	sst s4;
	s7 =	sshll.u32 s3, $0x8  }
0x6: {  	s0 =	rddreg [dreg:$0x4];
	_ =	strace $0x80000047;
	s5 =	sadd.s32 s5, s7  }
0x7: {  	[tilespmem:s4], [sflag:$0x1] =	stream.linear.gather [hbm4b:s5+s4], $0x800, $0x38;
	[tilespmem:$0x1180] =	vst v63  }
0x8: {  	s12 =	simm.s32 $0x800;
	s13 =	simm.s32 $0x2  }
0x9: {  	[tilespmem:s12], [sflag:$0x2] =	stream.linear.gather [hbm4b:s6+s4], $0x80, $0x38;
	[tilespmem:$0x1180] =	vst v63  }
0xa: {  	_ =	swait.ge [sflag:s13], $0x80  }
0xb: {  	[sflag:s13] =	ssyncset.done $0x0  }
0xc: {  	s14 =	simm.s32 $0x1;
	[sflag:s13] =	ssyncadd.s32 $0xFFFFFF80  }
0xd: {  	_ =	swait.ge [sflag:s14], $0x800  }
0xe: {  	[sflag:s14] =	ssyncset.done $0x0  }
0xf: {  	[sflag:s14] =	ssyncadd.s32 $0xFFFFF800  }
0x10: {  	v0 =	vld [tilespmem:$0x800];
	_ =	sdelay $0x4  }
0x11: {  	(v2sf) =	vpush v0, $0x0  }
0x12: {  	(v2sf) =	vpush v0, $0x1  }
0x13: {  	(v2sf) =	vpush v0, $0x2  }
0x14: {  	(v2sf) =	vpush v0, $0x3  }
0x15: {  	(v2sf) =	vpush v0, $0x4  }
0x16: {  	(v2sf) =	vpush v0, $0x5  }
0x17: {  	(v2sf) =	vpush v0, $0x6  }
0x18: {  	v1 =	vimm.f32 $1.500000000e+01;
	vm0 =	vcmask $0x300;
	(v2sf) =	vpush v0, $0x7  }
0x19: {  	vm14 =	vcmask $0x704;
	v1 =	vsel vm0, $0x0, v1;
	(v2sf) =	vpush v0, $0x8  }
0x1a: {  	vm15 =	vcmask $0xB08;
	v1 =	vsel vm14, $0x3F800000, v1;
	(v2sf) =	vpush v0, $0x9  }
0x1b: {  	vm4 =	vcmask $0xF0C;
	v1 =	vsel vm15, $0x40000000, v1;
	(v2sf) =	vpush v0, $0xA  }
0x1c: {  	vm5 =	vcmask $0x1310;
	v1 =	vsel vm4, $0x40400000, v1;
	(v2sf) =	vpush v0, $0xB  }
0x1d: {  	vm6 =	vcmask $0x1714;
	v1 =	vsel vm5, $0x40800000, v1;
	(v2sf) =	vpush v0, $0xC  }
0x1e: {  	vm7 =	vcmask $0x1B18;
	v1 =	vsel vm6, $0x40A00000, v1  }
0x1f: {  	vm8 =	vcmask $0x1F1C;
	v1 =	vsel vm7, $0x40C00000, v1;
	(v2sf) =	vpush v0, $0xD  }
0x20: {  	vm9 =	vcmask $0x2320;
	v1 =	vsel vm8, $0x40E00000, v1;
	(v2sf) =	vpush v0, $0xE;
	s15 =	spop (v2sf)  }
0x21: {  	vm10 =	vcmask $0x2724;
	(v2sf) =	vpush v0, $0xF;
	v0 =	vsel vm9, $0x41000000, v1;
	s16 =	spop (v2sf)  }
0x22: {  	vm11 =	vcmask $0x2B28;
	[smem:$0x0] =	sst s15;
	v0 =	vsel vm10, $0x41100000, v0;
	s17 =	spop (v2sf)  }
0x23: {  	vm12 =	vcmask $0x2F2C;
	v2 =	vimm.s32 $0x32107654;
	[smem:$0x1] =	sst s16;
	v0 =	vsel vm11, $0x41200000, v0;
	s18 =	spop (v2sf)  }
0x24: {  	vm13 =	vcmask $0x3330;
	[smem:$0x2] =	sst s17;
	v1 =	vsel vm12, $0x41300000, v0;
	v0 =	vimm.s32 $0xBA98FEDC;
	s19 =	spop (v2sf)  }
0x25: {  	v5 =	vimm.s32 $0xFEDCBA98;
	v2 =	vunpack.c.l.s4.s8 v2;
	[smem:$0x3] =	sst s18;
	v3 =	vunpack.c.l.s4.s8 v0;
	s20 =	spop (v2sf)  }
0x26: {  	v5 =	vunpack.c.l.s4.s8 v5;
	vm14 =	vcmask $0x3734;
	v1 =	vsel vm13, $0x41400000, v1;
	[smem:$0x4] =	sst s19;
	s21 =	spop (v2sf)  }
0x27: {  	v2 =	vunpack.c.0.s8.s32 v2;
	v4 =	vsel vm14, $0x41500000, v1;
	[smem:$0x5] =	sst s20;
	v1 =	vunpack.c.0.s8.s32 v3;
	s22 =	spop (v2sf)  }
0x28: {  	v6 =	vimm.s32 $0xDCFE98BA;
	v8 =	vimm.s32 $0x67452301;
	[smem:$0x6] =	sst s21;
	s23 =	spop (v2sf)  }
0x29: {  	v8 =	vunpack.c.l.s4.s8 v8;
	v5 =	vunpack.c.0.s8.s32 v5;
	[smem:$0x7] =	sst s22;
	v7 =	vcombine.low v2, v1;
	s24 =	spop (v2sf)  }
0x2a: {  	v1 =	vunpack.c.l.s4.s8 v6;
	v2 =	vimm.s32 $0x54761032;
	v6 =	vimm.s32 $0xEFCDAB89;
	[smem:$0x8] =	sst s23;
	s25 =	spop (v2sf)  }
0x2b: {  	v3 =	vimm.s32 $0x76543210;
	v2 =	vunpack.c.l.s4.s8 v2;
	v6 =	vunpack.c.l.s4.s8 v6;
	[smem:$0x9] =	sst s24;
	s26 =	spop (v2sf)  }
0x2c: {  	v8 =	vunpack.c.0.s8.s32 v8;
	vm15 =	vcmask $0x3B38;
	v3 =	vunpack.c.l.s4.s8 v3;
	[smem:$0xA] =	sst s25;
	s28 =	spop (v2sf)  }
.Ltmp0:
0x2d: {  	v1 =	vunpack.c.0.s8.s32 v1;
	v2 =	vunpack.c.0.s8.s32 v2;
	v6 =	vunpack.c.0.s8.s32 v6;
	[smem:$0xB] =	sst s26;
	(pc) =	sbr.rel .LBB2_1-.Ltmp0, $4  }
0x2e: {  	v5 =	vand.u32 $0xF, v5;
	v0 =	vimm.f32 $-Inf;
	v10 =	vunpack.c.0.s8.s32 v3;
	s29 =	spop (v2sf);
	[smem:$0xC] =	sst s28  }
0x2f: {  	v3 =	vlaneseq.u32;
	v9 =	vcombine.low v2, v1;
	v8 =	vcombine.low v8, v6;
	s30 =	spop (v2sf);
	[smem:$0xD] =	sst s29  }
0x30: {  	s5 =	sshll.u32 s3, $0xB;
	[tilespmem:$0x880] =	vst v0;
	v1 =	vimm.f32 $+Inf;
	v2 =	vsel vm15, $0x41600000, v4;
	v4 =	vcombine.low v5, v10;
	[smem:$0xE] =	sst s30;
	s31 =	spop (v2sf)  }
0x31: {  	s7 =	simm.s32 $0x0;
	s6 =	sadd.s32 $0x800, s5;
	v5 =	vand.u32 $0xF, v7;
	[tilespmem:$0x890] =	vst v1;
	v6 =	vand.u32 $0xF, v9;
	v7 =	vand.u32 $0xF, v8;
	[smem:$0xF] =	sst s31  }
.LBB2_3:
0x32: {  	v13 =	vimm.f32 $+Inf;
	v14 =	vimm.f32 $-Inf;
	s15 =	smov.u32 s9  }
.LBB2_8:
0x33: {  	s10 =	sadd.s32 @p0 $0x10, s15  }
0x34: {  	s9 =	smov.u32 @p0 s10  }
0x35: {  	v16 =	vor.u32 s9, v3  }
0x36: {  	vm1 =	vge.s32 v16, v9;
	vm2 =	vlt.s32 v16, v11  }
0x37: {  	v9 =	vsel @p0 vm0, v15, v14;
	vm1 =	vmand vm1, vm2  }
0x38: {  	v9 =	vpsel p0, v9, v10;
	v59 =	vnsel vm1, $0xFF800000, v12  }
0x39: {  	vm1 =	vgt.f32 v59, v9  }
0x3a: {  	v9 =	vsel vm1, v59, v9  }
0x3b: {  	v60 =	vperm.xlane v9, v4;
	_ =	sdelay $0x1  }
0x3c: {  	v10 =	vmax.f32 v9, v60  }
0x3d: {  	v61 =	vperm.xlane v10, v5;
	_ =	sdelay $0x1  }
0x3e: {  	s31 =	scvt.s32.f32 s12;
	v12 =	vsel @p0 vm0, s13, v13;
	v10 =	vmax.f32 v10, v61  }
0x3f: {  	v8 =	vpsel p0, v12, v8;
	v11 =	vperm.xlane v10, v6  }
0x40: {  	v8 =	vsel vm1, s31, v8  }
0x41: {  	v8 =	vmul.f32 $1.600000000e+01, v8;
	v10 =	vmax.f32 v10, v11  }
0x42: {  	s4 =	ssub.s32 s5, s4;
	v11 =	vperm.xlane v10, v7  }
0x43: {  	s4 =	scvt.s32.f32 s4;
	v8 =	vadd.f32 v2, v8  }
0x44: {  	vm12 =	vlt.f32 v9, $-Inf;
	vm13 =	vgt.f32 v9, $-Inf;
	v10 =	vmax.f32 v10, v11  }
0x45: {  	vm0 =	vmor vm13, vm12;
	v8 =	vadd.f32 s4, v8;
	vm14 =	veq.f32 v9, v10  }
0x46: {  	vm0 =	vmand vm0, vm14  }
0x47: {  	v8 =	vnsel vm0, $0x7F800000, v8  }
0x48: {  	v62 =	vperm.xlane v8, v4;
	_ =	sdelay $0x1  }
0x49: {  	v8 =	vmin.f32 v8, v62  }
0x4a: {  	v9 =	vperm.xlane v8, v5;
	_ =	sdelay $0x1  }
0x4b: {  	v8 =	vmin.f32 v8, v9  }
0x4c: {  	v9 =	vperm.xlane v8, v6;
	_ =	sdelay $0x1  }
0x4d: {  	v8 =	vmin.f32 v8, v9  }
0x4e: {  	v63 =	vmov s7;
	v9 =	vperm.xlane v8, v7  }
0x4f: {  	vm15 =	veq.s32 v63, v3  }
0x50: {  	v0 =	vsel vm15, v10, v0;
	v8 =	vmin.f32 v8, v9  }
0x51: {  	[tilespmem:$0x880] =	vst v0;
	v1 =	vsel vm15, v8, v1  }
0x52: {  	[tilespmem:$0x890] =	vst v1  }
.LBB2_9:
0x53: {  	s7 =	sadd.s32 $0x1, s7  }
0x54: {  	p0 =	sne.s32 s7, $0x10  }
.Ltmp1:
0x55: {  	_ = 	snop;
	(pc) =	sbr.rel @!p0 .LBB2_10-.Ltmp1, $2  }
0x56: {  	_ =	sdelay $0x2  }
0x57: {  	s4 =	smov.u32 s8  }
.LBB2_1:
0x58: {  	s8 =	sld [smem:s7+$0x0]  }
0x59: {  	p0 =	sgt.s32 s4, s5;
	s13 =	smov.u32 s5  }
0x5a: {  	s13 =	smov.u32 @p0 s4  }
0x5b: {  	s9 =	smov.u32 s6;
	s10 =	ssub.s32 s13, s5;
	p0 =	slt.s32 s8, s6  }
0x5c: {  	s11 =	smin.u32 s10, $0x800;
	s9 =	smov.u32 @p0 s8  }
0x5d: {  	s14 =	sand.u32 $0xF, s11;
	s12 =	ssub.s32 s9, s5  }
0x5e: {  	p1 =	slt.s32 s10, $0x1;
	p2 =	sne.s32 s14, $0x0;
	p0 =	sgt.s32 s12, $0x0  }
0x5f: {  	p6 =	por !p1, !p2;
	s12 =	simm.s32 @!p0 $0x0  }
0x60: {  	p0 =	por !p6, !p6;
	s31 =	smin.u32 s12, $0x800;
	s12 =	simm.s32 $0x1  }
0x61: {  	s11 =	sshrl.u32 s11, $0x4;
	s12 =	simm.s32 @!p0 $0x0;
	s10 =	sadd.s32 $0xF, s31  }
0x62: {  	s12 =	ssub.s32 s11, s12;
	s10 =	sshrl.u32 s10, $0x4  }
0x63: {  	p0 =	sle.s32 s10, s12  }
.Ltmp2:
0x64: {  	_ = 	snop;
	(pc) =	sbr.rel @p0 .LBB2_9-.Ltmp2, $1  }
0x65: {  	_ =	sdelay $0x3  }
0x66: {  	s11 =	sadd.s32 $0x1, s12  }
0x67: {  	p1 =	slt.u32 s11, s10  }
.Ltmp3:
0x68: {  	_ = 	snop;
	(pc) =	sbr.rel @!p1 .LBB2_3-.Ltmp3, $4  }
0x69: {  	_ = 	snop  }
0x6a: {  	s14 =	sshll.u32 s12, $0x6  }
0x6b: {  	v9 =	vmov s13;
	s31 =	sshll.u32 s12, $0x4;
	s13 =	sshra.s32 s14, $0x2  }
0x6c: {  	v11 =	vmov s9;
	v10 =	vimm.f32 $-Inf;
	v8 =	vimm.f32 $+Inf;
	p0 =	por $0x0, $0x0;
	s9 =	sadd.s32 s31, s5;
	v12 =	vld [tilespmem:s13+$0x0]  }
0x6d: {  	s14 =	sadd.s32 $0x1, s11  }
0x6e: {  	p1 =	slt.u32 s14, s10  }
.Ltmp4:
0x6f: {  	v13 =	vor.u32 s9, v3;
	(pc) =	sbr.rel @!p1 .LBB2_5-.Ltmp4, $4  }
0x70: {  	vm0 =	vge.s32 v13, v9;
	vm1 =	vlt.s32 v13, v11  }
0x71: {  	vm0 =	vmand vm0, vm1  }
0x72: {  	s16 =	sadd.s32 $0x10, s13;
	v15 =	vnsel vm0, $0xFF800000, v12  }
0x73: {  	s13 =	scvt.s32.f32 s12;
	p0 =	por $0x1, $0x1;
	v14 =	vimm.f32 $-Inf;
	s15 =	smov.u32 s9;
	v13 =	vimm.f32 $+Inf;
	v12 =	vld [tilespmem:s16+$0x0];
	vm0 =	vgt.f32 v15, v10  }
.LBB2_6:
0x74: {  	s12 =	smov.u32 s14;
	s14 =	sadd.s32 $0x1, s14  }
0x75: {  	v13 =	vsel vm0, s13, v13;
	v14 =	vsel vm0, v15, v14;
	s15 =	sadd.s32 $0x10, s15;
	p1 =	slt.u32 s14, s10  }
.Ltmp5:
0x76: {  	v15 =	vor.u32 s15, v3;
	(pc) =	sbr.rel @p1 .LBB2_6-.Ltmp5, $4  }
0x77: {  	vm0 =	vge.s32 v15, v9;
	vm1 =	vlt.s32 v15, v11  }
0x78: {  	vm0 =	vmand vm0, vm1  }
0x79: {  	s13 =	scvt.s32.f32 s11;
	s16 =	sadd.s32 $0x10, s16;
	s11 =	smov.u32 s12;
	v15 =	vnsel vm0, $0xFF800000, v12  }
0x7a: {  	v12 =	vld [tilespmem:s16+$0x0];
	vm0 =	vgt.f32 v15, v14  }
.Ltmp6:
0x7b: {  	(pc) =	sbr.rel .LBB2_8-.Ltmp6, $2  }
0x7c: {  	_ =	sdelay $0x2  }
0x7d: {  	s12 =	smov.u32 s11  }
.LBB2_5:
.Ltmp7:
0x7e: {  	(pc) =	sbr.rel .LBB2_8-.Ltmp7, $2  }
0x7f: {  	_ =	sdelay $0x2  }
0x80: {  	v13 =	vimm.f32 $+Inf;
	v14 =	vimm.f32 $-Inf;
	s15 =	smov.u32 s9;
	s12 =	smov.u32 s11  }
.LBB2_10:
0x81: {  	s4 =	sshll.u32 s3, $0x4  }
0x82: {  	s6 =	simm.s32 $0x880;
	s5 =	sadd.s32 s4, s2;
	s4 =	simm.s32 $0x0  }
0x83: {  	[hbm4b:s5+s4] =	stream.linear.scatter [tilespmem:s6], [sflag:$0x3], $0x80, $0x38;
	[tilespmem:$0x1180] =	vst v63  }
0x84: {  	s5 =	simm.s32 $0x3  }
0x85: {  	_ =	swait.ge [sflag:s5], $0x80  }
0x86: {  	[sflag:s5] =	ssyncset.done $0x0  }
0x87: {  	[sflag:s5] =	ssyncadd.s32 $0xFFFFFF80  }
0x88: {  	p0 =	sne.s32 s3, $0x0;
	[bflag:$0x0] =	sbarrier.arrive $0xFFFF  }
0x89: {  	_ =	sfence.sel @p0 $0x180000  }
0x8a: {  	[bflag:$0x0] =	sbarrier.arrive @p0 $0xFFFF  }
0x8b: {  	_ =	strace @p0 $0x90000047  }
0x8c: {  	[bflag:$0x2] =	sbarrier.arrive @p0 $0xFFFF  }
0x8d: {  	_ =	shalt @p0  }
.LBB2_11:
0x8e: {  	s3 =	simm.s32 $0x900  }
0x8f: {  	[tilespmem:s3], [sflag:$0x3] =	stream.linear.gather [hbm4b:s2+s4], $0x800, $0x38;
	[tilespmem:$0x1180] =	vst v63  }
0x90: {  	_ =	swait.ge [sflag:s5], $0x800  }
0x91: {  	[sflag:s5] =	ssyncset.done $0x0  }
0x92: {  	s30 =	simm.s32 $0x0;
	[sflag:s5] =	ssyncadd.s32 $0xFFFFF800  }
0x93: {  	v0 =	vld [tilespmem:s30+$0x900]  }
0x94: {  	v4 =	vld [tilespmem:s30+$0x910];
	_ =	sdelay $0x3  }
0x95: {  	v1 =	vimm.f32 $-Inf;
	v3 =	vimm.f32 $+Inf  }
0x96: {  	s31 =	simm.s32 $0x80;
	vm0 =	veq.f32 v0, v1;
	v5 =	vmin.f32 v3, v4  }
0x97: {  	v2 =	vld [tilespmem:s31+$0x900];
	vm1 =	vgt.f32 v0, v1;
	v5 =	vsel vm0, v5, v3  }
0x98: {  	s2 =	simm.s32 $0x400;
	v3 =	vld [tilespmem:s31+$0x910];
	v4 =	vsel vm1, v4, v5  }
.LBB2_12:
0x99: {  	_ = 	snop  }
0x9a: {  	p0 =	sne.s32 s2, $0x1E00  }
.Ltmp8:
0x9b: {  	_ = 	snop;
	(pc) =	sbr.rel @p0 .LBB2_12-.Ltmp8, $4  }
0x9c: {  	v1 =	vmax.f32 v1, v0;
	v0 =	vmov v2  }
0x9d: {  	s3 =	sshra.s32 s2, $0x2;
	v5 =	vmin.f32 v4, v3;
	vm0 =	veq.f32 v0, v1  }
0x9e: {  	v2 =	vld [tilespmem:s3+$0x900];
	v6 =	vmov v3;
	vm1 =	vgt.f32 v0, v1;
	v4 =	vsel vm0, v5, v4  }
0x9f: {  	s2 =	sadd.s32 $0x200, s2;
	v3 =	vld [tilespmem:s3+$0x910];
	v4 =	vsel vm1, v6, v4  }
0xa0: {  	_ =	sdelay $0x2  }
0xa1: {  	v0 =	vmax.f32 v1, v0  }
0xa2: {  	vm0 =	veq.f32 v2, v0;
	v63 =	vmin.f32 v4, v3  }
0xa3: {  	vm1 =	vgt.f32 v2, v0;
	v1 =	vsel vm0, v63, v4  }
0xa4: {  	v1 =	vsel vm1, v3, v1  }
0xa5: {  	v1 =	vtrunc.f32 v1  }
0xa6: {  	v0 =	vmax.f32 v0, v2;
	v1 =	vcvt.f32.s32 v1  }
0xa7: {  	vm15 =	veq.f32 v0, $-Inf  }
0xa8: {  	v0 =	vsel vm15, $0x7FFFFFFF, v1  }
0xa9: {  	s2 =	simm.s32 $0x0;
	s3 =	simm.s32 $0x1100;
	s31 =	simm.s32 $0x3;
	[tilespmem:$0x1100] =	vst v0  }
0xaa: {  	[hbm4b:s1+s2] =	stream.linear.scatter [tilespmem:s3], [sflag:$0x3], $0x80, $0x38;
	[tilespmem:$0x1180] =	vst v63  }
0xab: {  	_ =	swait.ge [sflag:s31], $0x80  }
0xac: {  	[sflag:s31] =	ssyncset.done $0x0  }
0xad: {  	[sflag:s31] =	ssyncadd.s32 $0xFFFFFF80  }
0xae: {  	_ =	sfence.sel $0x180000  }
0xaf: {  	[bflag:$0x0] =	sbarrier.arrive $0xFFFF  }
0xb0: {  	_ =	strace $0x90000047  }
0xb1: {  	s0 =	sadd.s32 $0x100000, s0;
	[bflag:$0x2] =	sbarrier.arrive $0xFFFF  }
0xb2: {  	[sflag:s0] =	ssyncadd.tile.s32 $0x1;
	_ =	shalt  }
.Lfunc_end2:
_tile_overlayer_lowered:
.L_overlay_start_2:
0xb3: {  	(tag) =	ssettag $0x2  }
0xb4: {  	s0 =	rddreg [dreg:$0x0];
	s2 =	stileid.u32  }
0xb5: {  	s1 =	rddreg [dreg:$0x1];
	p0 =	sne.s32 s2, $0x0  }
0xb6: {  	s3 =	rddreg [dreg:$0x2];
	[bflag:$0x3] =	sbarrier.arrive $0xFFFF;
	s2 =	simm.s32 @!p0 $0x1C03  }
0xb7: {  	[timem:s3], [sflag:s2] =	dma.local @!p0 [hbm:s0], s1  }
0xb8: {  	s0 =	simm.s32 @!p0 $0x3  }
0xb9: {  	_ =	swait.ge @!p0 [sflag:s0], s1  }
0xba: {  	s1 =	ssub.s32 @!p0 $0x0, s1;
	[sflag:s0] =	ssyncset.done @!p0 $0x0  }
0xbb: {  	[sflag:s0] =	ssyncadd.s32 @!p0 s1  }
0xbc: {  	[bflag:$0x3] =	sbarrier.arrive $0xFFFF  }
0xbd: {  	_ =	shalt  }

</sc_bundles>
